<compile_context>
chip_gen: v7x
topology: tpu7x:2x2x1
jax: 0.10.2.dev20260603
libtpu: 0.0.44.dev20260713+nightly
codegen_flags: <defaults>
</compile_context>

<pallas_src>
import functools

import jax
import jax.numpy as jnp
from jax import lax
from jax.experimental import pallas as pl
from jax.experimental.pallas import tpu as pltpu
from jax.experimental.pallas import tpu_sc as plsc

_B, _S, _W = 4, 2048, 4096
_R = _B * _S
_NW = 32
_RPW = _R // _NW
_CR = 8
_CC = 2048
_L = 16


@functools.partial(
    pl.kernel,
    out_type=jax.ShapeDtypeStruct((_R, 2 * _W), jnp.float32),
    mesh=plsc.VectorSubcoreMesh(core_axis_name="c", subcore_axis_name="s"),
    scratch_types=[
        pltpu.VMEM((_CR, _CC), jnp.float32),
        pltpu.VMEM((_CR, _CC), jnp.float32),
        pltpu.VMEM((_CR, 2 * _CC), jnp.float32),
        pltpu.VMEM((_CR, 2 * _CC), jnp.float32),
        pltpu.SemaphoreType.DMA,
        pltpu.SemaphoreType.DMA,
        pltpu.SemaphoreType.DMA,
        pltpu.SemaphoreType.DMA,
    ],
    compiler_params=pltpu.CompilerParams(
        needs_layout_passes=False, use_tc_tiling_on_sc=True),
)
def _interp_sc(x_hbm, y_hbm, in0, in1, out0, out1, sg0, sg1, ss0, ss1):
    wid = lax.axis_index("s") * 2 + lax.axis_index("c")
    row0 = wid * _RPW
    _CPR = _W // _CC
    _NCHUNK = (_RPW // _CR) * _CPR

    evens = lax.iota(jnp.int32, _L) * 2
    rowsel = [jnp.full((_L,), s, jnp.int32) for s in range(_CR)]

    def src_slice(c):
        r = row0 + (c // _CPR) * _CR
        col = (c % _CPR) * _CC
        return x_hbm.at[pl.ds(r, _CR), pl.ds(col, _CC)]

    def dst_slice(c):
        r = row0 + (c // _CPR) * _CR
        col = (c % _CPR) * _CC
        return y_hbm.at[pl.ds(r, _CR), pl.ds(2 * col, 2 * _CC)]

    def make_ibody(in_v, out_v):
        def ibody(i, carry):
            for s in range(_CR):
                xv = in_v[s, pl.ds(i * _L, _L)]
                plsc.store_scatter(
                    out_v, [rowsel[s], evens + i * (2 * _L)], xv)
            return carry
        return ibody

    bufs = ((in0, out0, sg0, ss0), (in1, out1, sg1, ss1))

    pltpu.async_copy(src_slice(0), in0, sg0)
    pltpu.async_copy(src_slice(1), in1, sg1)

    zeros = jnp.zeros((_L,), jnp.float32)

    def zbody(i, carry):
        for s in range(_CR):
            out0[s, pl.ds(i * _L, _L)] = zeros
            out1[s, pl.ds(i * _L, _L)] = zeros
        return carry

    lax.fori_loop(0, (2 * _CC) // _L, zbody, 0)

    def cbody(c2, carry):
        for b, (in_v, out_v, sg, ss) in enumerate(bufs):
            cc = c2 * 2 + b
            pltpu.make_async_copy(src_slice(cc), in_v, sg).wait()
            @pl.when(cc >= 2)
            def _():
                pltpu.make_async_copy(out_v, dst_slice(cc), ss).wait()
            pltpu.async_copy(out_v, dst_slice(cc), ss)
            @pl.when(cc + 2 < _NCHUNK)
            def _():
                pltpu.async_copy(src_slice(cc + 2), in_v, sg)
        return carry

    lax.fori_loop(0, _NCHUNK // 2, cbody, 0)

    pltpu.make_async_copy(out0, dst_slice(_NCHUNK - 2), ss0).wait()
    pltpu.make_async_copy(out1, dst_slice(_NCHUNK - 1), ss1).wait()


def kernel(x):
    y = _interp_sc(x.reshape(_R, _W))
    return y.reshape(_B, _S, 2 * _W)

# --- scband reference (transcript-rebuilt; emitter-appended) ---
"""Pipeline reference for scband-interpolation-47502338294562 (READ-ONLY COPY).

The authoritative reference and input builder live on the scoring server;
editing this copy changes nothing except your own understanding.
"""

import jax, jax.numpy as jnp
import numpy as np

PERIOD = 2
START = 0


def setup_inputs(seed: int = 0) -> dict:
    key = jax.random.key(seed)
    x = jax.random.normal(key, (4, 2048, 4096), dtype=jnp.float32)
    return {"x": x}


def reference(x):
    period = PERIOD
    start = START
    # dim = -1
    T = x.shape[-1] * period + start
    y = jnp.zeros(x.shape[:-1] + (T,), dtype=x.dtype)
    indices = jnp.arange(start, T, period, dtype=jnp.int32)
    # scatter-add x into strided positions along last dim (torch index_add_)
    y = y.at[..., indices].add(x)
    return y

if __name__ == "__main__":
    import jax
    _d = setup_inputs()
    print(jax.jit(kernel)(*tuple(_d.values())))

</pallas_src>

<mosaic_0001>
#map = affine_map<(d0, d1) -> (0, 0)>
module attributes {stable_mosaic.version = 14 : i64} {
  func.func @_interp_sc(%arg0: i32, %arg1: i32, %arg2: memref<8192x4096xf32, #tpu.memory_space<hbm>>, %arg3: memref<8192x8192xf32, #tpu.memory_space<hbm>>, %arg4: memref<8x2048xf32, #tpu.memory_space<vmem>>, %arg5: memref<8x2048xf32, #tpu.memory_space<vmem>>, %arg6: memref<8x4096xf32, #tpu.memory_space<vmem>>, %arg7: memref<8x4096xf32, #tpu.memory_space<vmem>>, %arg8: memref<!tpu.dma_semaphore, #tpu.memory_space<semaphore_mem>>, %arg9: memref<!tpu.dma_semaphore, #tpu.memory_space<semaphore_mem>>, %arg10: memref<!tpu.dma_semaphore, #tpu.memory_space<semaphore_mem>>, %arg11: memref<!tpu.dma_semaphore, #tpu.memory_space<semaphore_mem>>) attributes {dimension_semantics = [#tpu.dimension_semantics<core_parallel>, #tpu.dimension_semantics<subcore_parallel>], iteration_bounds = array<i64: 2, 16>, scalar_prefetch = 0 : i64, scratch_operands = 8 : i64, tpu.core_type = #tpu.core_type<sc_vector_subcore>, window_params = [{transform_indices = #map}, {transform_indices = #map}]} {
    %mul3A = arith.constant 2 : i32
    %mul3A_0 = arith.muli %arg1, %mul3A : i32
    %add3A = arith.addi %mul3A_0, %arg0 : i32
    %mul3A_1 = arith.constant 256 : i32
    %mul3A_2 = arith.muli %add3A, %mul3A_1 : i32
    %iota3A = tpu.iota {dimensions = array<i32: 0>} : vector<16xi32>
    %mul3A_3 = arith.constant 2 : i32
    %mul3A_4 = vector.broadcast %mul3A_3 : i32 to vector<16xi32>
    %mul3A_5 = arith.muli %iota3A, %mul3A_4 : vector<16xi32>
    %broadcast_in_dim3A = arith.constant 0 : i32
    %broadcast_in_dim3A_6 = vector.broadcast %broadcast_in_dim3A : i32 to vector<16xi32>
    %broadcast_in_dim3A_7 = arith.constant 1 : i32
    %broadcast_in_dim3A_8 = vector.broadcast %broadcast_in_dim3A_7 : i32 to vector<16xi32>
    %broadcast_in_dim3A_9 = arith.constant 2 : i32
    %broadcast_in_dim3A_10 = vector.broadcast %broadcast_in_dim3A_9 : i32 to vector<16xi32>
    %broadcast_in_dim3A_11 = arith.constant 3 : i32
    %broadcast_in_dim3A_12 = vector.broadcast %broadcast_in_dim3A_11 : i32 to vector<16xi32>
    %broadcast_in_dim3A_13 = arith.constant 4 : i32
    %broadcast_in_dim3A_14 = vector.broadcast %broadcast_in_dim3A_13 : i32 to vector<16xi32>
    %broadcast_in_dim3A_15 = arith.constant 5 : i32
    %broadcast_in_dim3A_16 = vector.broadcast %broadcast_in_dim3A_15 : i32 to vector<16xi32>
    %broadcast_in_dim3A_17 = arith.constant 6 : i32
    %broadcast_in_dim3A_18 = vector.broadcast %broadcast_in_dim3A_17 : i32 to vector<16xi32>
    %broadcast_in_dim3A_19 = arith.constant 7 : i32
    %broadcast_in_dim3A_20 = vector.broadcast %broadcast_in_dim3A_19 : i32 to vector<16xi32>
    %add3A_21 = arith.constant 0 : i32
    %add3A_22 = arith.addi %mul3A_2, %add3A_21 : i32
    %dma_start3A = arith.constant 0 : i32
    %dma_start3A_23 = tpu.memref_slice %arg2[%add3A_22, %dma_start3A] : memref<8192x4096xf32, #tpu.memory_space<hbm>> -> memref<8x2048xf32, #tpu.memory_space<hbm>>
    %dma_start3A_24 = arith.constant 0 : i32
    %dma_start3A_25 = tpu.memref_slice %arg2[%add3A_22, %dma_start3A_24] : memref<8192x4096xf32, #tpu.memory_space<hbm>> -> memref<8x2048xf32, #tpu.memory_space<hbm>>
    tpu.enqueue_dma source(%dma_start3A_25 : memref<8x2048xf32, #tpu.memory_space<hbm>>) target(%arg4 : memref<8x2048xf32, #tpu.memory_space<vmem>>) target_semaphore(%arg8 : memref<!tpu.dma_semaphore, #tpu.memory_space<semaphore_mem>>)
    %add3A_26 = arith.constant 0 : i32
    %add3A_27 = arith.addi %mul3A_2, %add3A_26 : i32
    %dma_start3A_28 = arith.constant 2048 : i32
    %dma_start3A_29 = tpu.memref_slice %arg2[%add3A_27, %dma_start3A_28] : memref<8192x4096xf32, #tpu.memory_space<hbm>> -> memref<8x2048xf32, #tpu.memory_space<hbm>>
    %dma_start3A_30 = arith.constant 2048 : i32
    %dma_start3A_31 = tpu.memref_slice %arg2[%add3A_27, %dma_start3A_30] : memref<8192x4096xf32, #tpu.memory_space<hbm>> -> memref<8x2048xf32, #tpu.memory_space<hbm>>
    tpu.enqueue_dma source(%dma_start3A_31 : memref<8x2048xf32, #tpu.memory_space<hbm>>) target(%arg5 : memref<8x2048xf32, #tpu.memory_space<vmem>>) target_semaphore(%arg9 : memref<!tpu.dma_semaphore, #tpu.memory_space<semaphore_mem>>)
    %broadcast_in_dim3A_32 = arith.constant 0.000000e+00 : f32
    %broadcast_in_dim3A_33 = vector.broadcast %broadcast_in_dim3A_32 : f32 to vector<16xf32>
    %scan3A = arith.constant 0 : i32
    %scan3A_34 = arith.constant 0 : i32
    %scan3A_35 = arith.constant 256 : i32
    %scan3A_36 = arith.addi %scan3A_34, %scan3A_35 : i32
    %scan3A_37 = arith.constant 1 : i32
    scf.for %scan3A_56 = %scan3A_34 to %scan3A_36 step %scan3A_37  : i32 {
      %mul3A_57 = arith.constant 16 : i32
      %mul3A_58 = arith.muli %scan3A_56, %mul3A_57 : i32
      %swap3A = arith.constant 0 : i32
      %swap3A_59 = arith.index_cast %swap3A : i32 to index
      %swap3A_60 = arith.index_cast %mul3A_58 : i32 to index
      %swap3A_61 = tpu.vector_load %arg6[%swap3A_59, %swap3A_60] {strides = array<i32>} : memref<8x4096xf32, #tpu.memory_space<vmem>>, vector<16xf32>,
      tpu.vector_store %arg6[%swap3A_59, %swap3A_60], %broadcast_in_dim3A_33 {strides = array<i32>} : memref<8x4096xf32, #tpu.memory_space<vmem>>, vector<16xf32>,
      %mul3A_62 = arith.constant 16 : i32
      %mul3A_63 = arith.muli %scan3A_56, %mul3A_62 : i32
      %swap3A_64 = arith.constant 0 : i32
      %swap3A_65 = arith.index_cast %swap3A_64 : i32 to index
      %swap3A_66 = arith.index_cast %mul3A_63 : i32 to index
      %swap3A_67 = tpu.vector_load %arg7[%swap3A_65, %swap3A_66] {strides = array<i32>} : memref<8x4096xf32, #tpu.memory_space<vmem>>, vector<16xf32>,
      tpu.vector_store %arg7[%swap3A_65, %swap3A_66], %broadcast_in_dim3A_33 {strides = array<i32>} : memref<8x4096xf32, #tpu.memory_space<vmem>>, vector<16xf32>,
      %mul3A_68 = arith.constant 16 : i32
      %mul3A_69 = arith.muli %scan3A_56, %mul3A_68 : i32
      %swap3A_70 = arith.constant 1 : i32
      %swap3A_71 = arith.index_cast %swap3A_70 : i32 to index
      %swap3A_72 = arith.index_cast %mul3A_69 : i32 to index
      %swap3A_73 = tpu.vector_load %arg6[%swap3A_71, %swap3A_72] {strides = array<i32>} : memref<8x4096xf32, #tpu.memory_space<vmem>>, vector<16xf32>,
      tpu.vector_store %arg6[%swap3A_71, %swap3A_72], %broadcast_in_dim3A_33 {strides = array<i32>} : memref<8x4096xf32, #tpu.memory_space<vmem>>, vector<16xf32>,
      %mul3A_74 = arith.constant 16 : i32
      %mul3A_75 = arith.muli %scan3A_56, %mul3A_74 : i32
      %swap3A_76 = arith.constant 1 : i32
      %swap3A_77 = arith.index_cast %swap3A_76 : i32 to index
      %swap3A_78 = arith.index_cast %mul3A_75 : i32 to index
      %swap3A_79 = tpu.vector_load %arg7[%swap3A_77, %swap3A_78] {strides = array<i32>} : memref<8x4096xf32, #tpu.memory_space<vmem>>, vector<16xf32>,
      tpu.vector_store %arg7[%swap3A_77, %swap3A_78], %broadcast_in_dim3A_33 {strides = array<i32>} : memref<8x4096xf32, #tpu.memory_space<vmem>>, vector<16xf32>,
      %mul3A_80 = arith.constant 16 : i32
      %mul3A_81 = arith.muli %scan3A_56, %mul3A_80 : i32
      %swap3A_82 = arith.constant 2 : i32
      %swap3A_83 = arith.index_cast %swap3A_82 : i32 to index
      %swap3A_84 = arith.index_cast %mul3A_81 : i32 to index
      %swap3A_85 = tpu.vector_load %arg6[%swap3A_83, %swap3A_84] {strides = array<i32>} : memref<8x4096xf32, #tpu.memory_space<vmem>>, vector<16xf32>,
      tpu.vector_store %arg6[%swap3A_83, %swap3A_84], %broadcast_in_dim3A_33 {strides = array<i32>} : memref<8x4096xf32, #tpu.memory_space<vmem>>, vector<16xf32>,
      %mul3A_86 = arith.constant 16 : i32
      %mul3A_87 = arith.muli %scan3A_56, %mul3A_86 : i32
      %swap3A_88 = arith.constant 2 : i32
      %swap3A_89 = arith.index_cast %swap3A_88 : i32 to index
      %swap3A_90 = arith.index_cast %mul3A_87 : i32 to index
      %swap3A_91 = tpu.vector_load %arg7[%swap3A_89, %swap3A_90] {strides = array<i32>} : memref<8x4096xf32, #tpu.memory_space<vmem>>, vector<16xf32>,
      tpu.vector_store %arg7[%swap3A_89, %swap3A_90], %broadcast_in_dim3A_33 {strides = array<i32>} : memref<8x4096xf32, #tpu.memory_space<vmem>>, vector<16xf32>,
      %mul3A_92 = arith.constant 16 : i32
      %mul3A_93 = arith.muli %scan3A_56, %mul3A_92 : i32
      %swap3A_94 = arith.constant 3 : i32
      %swap3A_95 = arith.index_cast %swap3A_94 : i32 to index
      %swap3A_96 = arith.index_cast %mul3A_93 : i32 to index
      %swap3A_97 = tpu.vector_load %arg6[%swap3A_95, %swap3A_96] {strides = array<i32>} : memref<8x4096xf32, #tpu.memory_space<vmem>>, vector<16xf32>,
      tpu.vector_store %arg6[%swap3A_95, %swap3A_96], %broadcast_in_dim3A_33 {strides = array<i32>} : memref<8x4096xf32, #tpu.memory_space<vmem>>, vector<16xf32>,
      %mul3A_98 = arith.constant 16 : i32
      %mul3A_99 = arith.muli %scan3A_56, %mul3A_98 : i32
      %swap3A_100 = arith.constant 3 : i32
      %swap3A_101 = arith.index_cast %swap3A_100 : i32 to index
      %swap3A_102 = arith.index_cast %mul3A_99 : i32 to index
      %swap3A_103 = tpu.vector_load %arg7[%swap3A_101, %swap3A_102] {strides = array<i32>} : memref<8x4096xf32, #tpu.memory_space<vmem>>, vector<16xf32>,
      tpu.vector_store %arg7[%swap3A_101, %swap3A_102], %broadcast_in_dim3A_33 {strides = array<i32>} : memref<8x4096xf32, #tpu.memory_space<vmem>>, vector<16xf32>,
      %mul3A_104 = arith.constant 16 : i32
      %mul3A_105 = arith.muli %scan3A_56, %mul3A_104 : i32
      %swap3A_106 = arith.constant 4 : i32
      %swap3A_107 = arith.index_cast %swap3A_106 : i32 to index
      %swap3A_108 = arith.index_cast %mul3A_105 : i32 to index
      %swap3A_109 = tpu.vector_load %arg6[%swap3A_107, %swap3A_108] {strides = array<i32>} : memref<8x4096xf32, #tpu.memory_space<vmem>>, vector<16xf32>,
      tpu.vector_store %arg6[%swap3A_107, %swap3A_108], %broadcast_in_dim3A_33 {strides = array<i32>} : memref<8x4096xf32, #tpu.memory_space<vmem>>, vector<16xf32>,
      %mul3A_110 = arith.constant 16 : i32
      %mul3A_111 = arith.muli %scan3A_56, %mul3A_110 : i32
      %swap3A_112 = arith.constant 4 : i32
      %swap3A_113 = arith.index_cast %swap3A_112 : i32 to index
      %swap3A_114 = arith.index_cast %mul3A_111 : i32 to index
      %swap3A_115 = tpu.vector_load %arg7[%swap3A_113, %swap3A_114] {strides = array<i32>} : memref<8x4096xf32, #tpu.memory_space<vmem>>, vector<16xf32>,
      tpu.vector_store %arg7[%swap3A_113, %swap3A_114], %broadcast_in_dim3A_33 {strides = array<i32>} : memref<8x4096xf32, #tpu.memory_space<vmem>>, vector<16xf32>,
      %mul3A_116 = arith.constant 16 : i32
      %mul3A_117 = arith.muli %scan3A_56, %mul3A_116 : i32
      %swap3A_118 = arith.constant 5 : i32
      %swap3A_119 = arith.index_cast %swap3A_118 : i32 to index
      %swap3A_120 = arith.index_cast %mul3A_117 : i32 to index
      %swap3A_121 = tpu.vector_load %arg6[%swap3A_119, %swap3A_120] {strides = array<i32>} : memref<8x4096xf32, #tpu.memory_space<vmem>>, vector<16xf32>,
      tpu.vector_store %arg6[%swap3A_119, %swap3A_120], %broadcast_in_dim3A_33 {strides = array<i32>} : memref<8x4096xf32, #tpu.memory_space<vmem>>, vector<16xf32>,
      %mul3A_122 = arith.constant 16 : i32
      %mul3A_123 = arith.muli %scan3A_56, %mul3A_122 : i32
      %swap3A_124 = arith.constant 5 : i32
      %swap3A_125 = arith.index_cast %swap3A_124 : i32 to index
      %swap3A_126 = arith.index_cast %mul3A_123 : i32 to index
      %swap3A_127 = tpu.vector_load %arg7[%swap3A_125, %swap3A_126] {strides = array<i32>} : memref<8x4096xf32, #tpu.memory_space<vmem>>, vector<16xf32>,
      tpu.vector_store %arg7[%swap3A_125, %swap3A_126], %broadcast_in_dim3A_33 {strides = array<i32>} : memref<8x4096xf32, #tpu.memory_space<vmem>>, vector<16xf32>,
      %mul3A_128 = arith.constant 16 : i32
      %mul3A_129 = arith.muli %scan3A_56, %mul3A_128 : i32
      %swap3A_130 = arith.constant 6 : i32
      %swap3A_131 = arith.index_cast %swap3A_130 : i32 to index
      %swap3A_132 = arith.index_cast %mul3A_129 : i32 to index
      %swap3A_133 = tpu.vector_load %arg6[%swap3A_131, %swap3A_132] {strides = array<i32>} : memref<8x4096xf32, #tpu.memory_space<vmem>>, vector<16xf32>,
      tpu.vector_store %arg6[%swap3A_131, %swap3A_132], %broadcast_in_dim3A_33 {strides = array<i32>} : memref<8x4096xf32, #tpu.memory_space<vmem>>, vector<16xf32>,
      %mul3A_134 = arith.constant 16 : i32
      %mul3A_135 = arith.muli %scan3A_56, %mul3A_134 : i32
      %swap3A_136 = arith.constant 6 : i32
      %swap3A_137 = arith.index_cast %swap3A_136 : i32 to index
      %swap3A_138 = arith.index_cast %mul3A_135 : i32 to index
      %swap3A_139 = tpu.vector_load %arg7[%swap3A_137, %swap3A_138] {strides = array<i32>} : memref<8x4096xf32, #tpu.memory_space<vmem>>, vector<16xf32>,
      tpu.vector_store %arg7[%swap3A_137, %swap3A_138], %broadcast_in_dim3A_33 {strides = array<i32>} : memref<8x4096xf32, #tpu.memory_space<vmem>>, vector<16xf32>,
      %mul3A_140 = arith.constant 16 : i32
      %mul3A_141 = arith.muli %scan3A_56, %mul3A_140 : i32
      %swap3A_142 = arith.constant 7 : i32
      %swap3A_143 = arith.index_cast %swap3A_142 : i32 to index
      %swap3A_144 = arith.index_cast %mul3A_141 : i32 to index
      %swap3A_145 = tpu.vector_load %arg6[%swap3A_143, %swap3A_144] {strides = array<i32>} : memref<8x4096xf32, #tpu.memory_space<vmem>>, vector<16xf32>,
      tpu.vector_store %arg6[%swap3A_143, %swap3A_144], %broadcast_in_dim3A_33 {strides = array<i32>} : memref<8x4096xf32, #tpu.memory_space<vmem>>, vector<16xf32>,
      %mul3A_146 = arith.constant 16 : i32
      %mul3A_147 = arith.muli %scan3A_56, %mul3A_146 : i32
      %swap3A_148 = arith.constant 7 : i32
      %swap3A_149 = arith.index_cast %swap3A_148 : i32 to index
      %swap3A_150 = arith.index_cast %mul3A_147 : i32 to index
      %swap3A_151 = tpu.vector_load %arg7[%swap3A_149, %swap3A_150] {strides = array<i32>} : memref<8x4096xf32, #tpu.memory_space<vmem>>, vector<16xf32>,
      tpu.vector_store %arg7[%swap3A_149, %swap3A_150], %broadcast_in_dim3A_33 {strides = array<i32>} : memref<8x4096xf32, #tpu.memory_space<vmem>>, vector<16xf32>,
    }
    %scan3A_38 = arith.constant 256 : i32
    %scan3A_39 = arith.constant 0 : i32
    %scan3A_40 = arith.constant 0 : i32
    %scan3A_41 = arith.constant 32 : i32
    %scan3A_42 = arith.addi %scan3A_40, %scan3A_41 : i32
    %scan3A_43 = arith.constant 1 : i32
    scf.for %scan3A_56 = %scan3A_40 to %scan3A_42 step %scan3A_43  : i32 {
      %mul3A_57 = arith.constant 2 : i32
      %mul3A_58 = arith.muli %scan3A_56, %mul3A_57 : i32
      %add3A_59 = arith.constant 0 : i32
      %add3A_60 = arith.addi %mul3A_58, %add3A_59 : i32
      %jit3A = arith.constant 2 : i32
      %div3A = arith.divsi %add3A_60, %jit3A : i32
      %sign3A = arith.constant 0 : i32
      %sign3A_61 = arith.cmpi sgt, %add3A_60, %sign3A : i32
      %sign3A_62 = arith.extui %sign3A_61 : i1 to i32
      %sign3A_63 = arith.constant 0 : i32
      %sign3A_64 = arith.cmpi slt, %add3A_60, %sign3A_63 : i32
      %sign3A_65 = arith.extui %sign3A_64 : i1 to i32
      %sign3A_66 = arith.subi %sign3A_62, %sign3A_65 : i32
      %sign3A_67 = arith.constant 0 : i32
      %sign3A_68 = arith.cmpi sgt, %jit3A, %sign3A_67 : i32
      %sign3A_69 = arith.extui %sign3A_68 : i1 to i32
      %sign3A_70 = arith.constant 0 : i32
      %sign3A_71 = arith.cmpi slt, %jit3A, %sign3A_70 : i32
      %sign3A_72 = arith.extui %sign3A_71 : i1 to i32
      %sign3A_73 = arith.subi %sign3A_69, %sign3A_72 : i32
      %ne3A = arith.cmpi ne, %sign3A_66, %sign3A_73 : i32
      %rem3A = arith.remsi %add3A_60, %jit3A : i32
      %ne3A_74 = arith.constant 0 : i32
      %ne3A_75 = arith.cmpi ne, %rem3A, %ne3A_74 : i32
      %and3A = arith.andi %ne3A, %ne3A_75 : i1
      %sub3A = arith.constant 1 : i32
      %sub3A_76 = arith.subi %div3A, %sub3A : i32
      %select_n3A = arith.select %and3A, %sub3A_76, %div3A : i32
      %mul3A_77 = arith.constant 8 : i32
      %mul3A_78 = arith.muli %select_n3A, %mul3A_77 : i32
      %add3A_79 = arith.addi %mul3A_2, %mul3A_78 : i32
      %jit3A_80 = arith.constant 2 : i32
      %eq3A = arith.constant 0 : i32
      %eq3A_81 = arith.cmpi eq, %jit3A_80, %eq3A : i32
      %jit3A_82 = arith.constant 1 : i32
      %select_n3A_83 = arith.select %eq3A_81, %jit3A_82, %jit3A_80 : i32
      %rem3A_84 = arith.remsi %add3A_60, %select_n3A_83 : i32
      %ne3A_85 = arith.constant 0 : i32
      %ne3A_86 = arith.cmpi ne, %rem3A_84, %ne3A_85 : i32
      %lt3A = arith.constant 0 : i32
      %lt3A_87 = arith.cmpi slt, %rem3A_84, %lt3A : i32
      %lt3A_88 = arith.constant 0 : i32
      %lt3A_89 = arith.cmpi slt, %select_n3A_83, %lt3A_88 : i32
      %ne3A_90 = arith.xori %lt3A_87, %lt3A_89 : i1
      %and3A_91 = arith.andi %ne3A_90, %ne3A_86 : i1
      %add3A_92 = arith.addi %rem3A_84, %select_n3A_83 : i32
      %select_n3A_93 = arith.select %and3A_91, %add3A_92, %rem3A_84 : i32
      %mul3A_94 = arith.constant 2048 : i32
      %mul3A_95 = arith.muli %select_n3A_93, %mul3A_94 : i32
      %dma_wait3A_96 = tpu.memref_slice %arg2[%add3A_79, %mul3A_95] : memref<8192x4096xf32, #tpu.memory_space<hbm>> -> memref<8x2048xf32, #tpu.memory_space<hbm>>
      %dma_wait3A_97 = tpu.memref_slice %arg2[%add3A_79, %mul3A_95] : memref<8192x4096xf32, #tpu.memory_space<hbm>> -> memref<8x2048xf32, #tpu.memory_space<hbm>>
      tpu.wait_dma2 semaphore(%arg8 : memref<!tpu.dma_semaphore, #tpu.memory_space<semaphore_mem>>) src(%dma_wait3A_97 : memref<8x2048xf32, #tpu.memory_space<hbm>>) dst(%arg4 : memref<8x2048xf32, #tpu.memory_space<vmem>>)
      %ge3A = arith.constant 2 : i32
      %ge3A_98 = arith.cmpi sge, %add3A_60, %ge3A : i32
      %convert_element_type3A = arith.extui %ge3A_98 : i1 to i32
      %cond3A = arith.constant 0 : i32
      %cond3A_99 = arith.cmpi ne, %convert_element_type3A, %cond3A : i32
      scf.if %cond3A_99 {
        %jit3A_268 = arith.constant 2 : i32
        %div3A_269 = arith.divsi %add3A_60, %jit3A_268 : i32
        %sign3A_270 = arith.constant 0 : i32
        %sign3A_271 = arith.cmpi sgt, %add3A_60, %sign3A_270 : i32
        %sign3A_272 = arith.extui %sign3A_271 : i1 to i32
        %sign3A_273 = arith.constant 0 : i32
        %sign3A_274 = arith.cmpi slt, %add3A_60, %sign3A_273 : i32
        %sign3A_275 = arith.extui %sign3A_274 : i1 to i32
        %sign3A_276 = arith.subi %sign3A_272, %sign3A_275 : i32
        %sign3A_277 = arith.constant 0 : i32
        %sign3A_278 = arith.cmpi sgt, %jit3A_268, %sign3A_277 : i32
        %sign3A_279 = arith.extui %sign3A_278 : i1 to i32
        %sign3A_280 = arith.constant 0 : i32
        %sign3A_281 = arith.cmpi slt, %jit3A_268, %sign3A_280 : i32
        %sign3A_282 = arith.extui %sign3A_281 : i1 to i32
        %sign3A_283 = arith.subi %sign3A_279, %sign3A_282 : i32
        %ne3A_284 = arith.cmpi ne, %sign3A_276, %sign3A_283 : i32
        %rem3A_285 = arith.remsi %add3A_60, %jit3A_268 : i32
        %ne3A_286 = arith.constant 0 : i32
        %ne3A_287 = arith.cmpi ne, %rem3A_285, %ne3A_286 : i32
        %and3A_288 = arith.andi %ne3A_284, %ne3A_287 : i1
        %sub3A_289 = arith.constant 1 : i32
        %sub3A_290 = arith.subi %div3A_269, %sub3A_289 : i32
        %select_n3A_291 = arith.select %and3A_288, %sub3A_290, %div3A_269 : i32
        %mul3A_292 = arith.constant 8 : i32
        %mul3A_293 = arith.muli %select_n3A_291, %mul3A_292 : i32
        %add3A_294 = arith.addi %mul3A_2, %mul3A_293 : i32
        %jit3A_295 = arith.constant 2 : i32
        %eq3A_296 = arith.constant 0 : i32
        %eq3A_297 = arith.cmpi eq, %jit3A_295, %eq3A_296 : i32
        %jit3A_298 = arith.constant 1 : i32
        %select_n3A_299 = arith.select %eq3A_297, %jit3A_298, %jit3A_295 : i32
        %rem3A_300 = arith.remsi %add3A_60, %select_n3A_299 : i32
        %ne3A_301 = arith.constant 0 : i32
        %ne3A_302 = arith.cmpi ne, %rem3A_300, %ne3A_301 : i32
        %lt3A_303 = arith.constant 0 : i32
        %lt3A_304 = arith.cmpi slt, %rem3A_300, %lt3A_303 : i32
        %lt3A_305 = arith.constant 0 : i32
        %lt3A_306 = arith.cmpi slt, %select_n3A_299, %lt3A_305 : i32
        %ne3A_307 = arith.xori %lt3A_304, %lt3A_306 : i1
        %and3A_308 = arith.andi %ne3A_307, %ne3A_302 : i1
        %add3A_309 = arith.addi %rem3A_300, %select_n3A_299 : i32
        %select_n3A_310 = arith.select %and3A_308, %add3A_309, %rem3A_300 : i32
        %mul3A_311 = arith.constant 2048 : i32
        %mul3A_312 = arith.muli %select_n3A_310, %mul3A_311 : i32
        %mul3A_313 = arith.constant 2 : i32
        %mul3A_314 = arith.muli %mul3A_313, %mul3A_312 : i32
        %dma_wait3A_315 = tpu.memref_slice %arg3[%add3A_294, %mul3A_314] : memref<8192x8192xf32, #tpu.memory_space<hbm>> -> memref<8x4096xf32, #tpu.memory_space<hbm>>
        %dma_wait3A_316 = tpu.memref_slice %arg3[%add3A_294, %mul3A_314] : memref<8192x8192xf32, #tpu.memory_space<hbm>> -> memref<8x4096xf32, #tpu.memory_space<hbm>>
        tpu.wait_dma2 semaphore(%arg10 : memref<!tpu.dma_semaphore, #tpu.memory_space<semaphore_mem>>) src(%arg6 : memref<8x4096xf32, #tpu.memory_space<vmem>>) dst(%dma_wait3A_316 : memref<8x4096xf32, #tpu.memory_space<hbm>>)
      } else {
      }
      %jit3A_100 = arith.constant 2 : i32
      %div3A_101 = arith.divsi %add3A_60, %jit3A_100 : i32
      %sign3A_102 = arith.constant 0 : i32
      %sign3A_103 = arith.cmpi sgt, %add3A_60, %sign3A_102 : i32
      %sign3A_104 = arith.extui %sign3A_103 : i1 to i32
      %sign3A_105 = arith.constant 0 : i32
      %sign3A_106 = arith.cmpi slt, %add3A_60, %sign3A_105 : i32
      %sign3A_107 = arith.extui %sign3A_106 : i1 to i32
      %sign3A_108 = arith.subi %sign3A_104, %sign3A_107 : i32
      %sign3A_109 = arith.constant 0 : i32
      %sign3A_110 = arith.cmpi sgt, %jit3A_100, %sign3A_109 : i32
      %sign3A_111 = arith.extui %sign3A_110 : i1 to i32
      %sign3A_112 = arith.constant 0 : i32
      %sign3A_113 = arith.cmpi slt, %jit3A_100, %sign3A_112 : i32
      %sign3A_114 = arith.extui %sign3A_113 : i1 to i32
      %sign3A_115 = arith.subi %sign3A_111, %sign3A_114 : i32
      %ne3A_116 = arith.cmpi ne, %sign3A_108, %sign3A_115 : i32
      %rem3A_117 = arith.remsi %add3A_60, %jit3A_100 : i32
      %ne3A_118 = arith.constant 0 : i32
      %ne3A_119 = arith.cmpi ne, %rem3A_117, %ne3A_118 : i32
      %and3A_120 = arith.andi %ne3A_116, %ne3A_119 : i1
      %sub3A_121 = arith.constant 1 : i32
      %sub3A_122 = arith.subi %div3A_101, %sub3A_121 : i32
      %select_n3A_123 = arith.select %and3A_120, %sub3A_122, %div3A_101 : i32
      %mul3A_124 = arith.constant 8 : i32
      %mul3A_125 = arith.muli %select_n3A_123, %mul3A_124 : i32
      %add3A_126 = arith.addi %mul3A_2, %mul3A_125 : i32
      %jit3A_127 = arith.constant 2 : i32
      %eq3A_128 = arith.constant 0 : i32
      %eq3A_129 = arith.cmpi eq, %jit3A_127, %eq3A_128 : i32
      %jit3A_130 = arith.constant 1 : i32
      %select_n3A_131 = arith.select %eq3A_129, %jit3A_130, %jit3A_127 : i32
      %rem3A_132 = arith.remsi %add3A_60, %select_n3A_131 : i32
      %ne3A_133 = arith.constant 0 : i32
      %ne3A_134 = arith.cmpi ne, %rem3A_132, %ne3A_133 : i32
      %lt3A_135 = arith.constant 0 : i32
      %lt3A_136 = arith.cmpi slt, %rem3A_132, %lt3A_135 : i32
      %lt3A_137 = arith.constant 0 : i32
      %lt3A_138 = arith.cmpi slt, %select_n3A_131, %lt3A_137 : i32
      %ne3A_139 = arith.xori %lt3A_136, %lt3A_138 : i1
      %and3A_140 = arith.andi %ne3A_139, %ne3A_134 : i1
      %add3A_141 = arith.addi %rem3A_132, %select_n3A_131 : i32
      %select_n3A_142 = arith.select %and3A_140, %add3A_141, %rem3A_132 : i32
      %mul3A_143 = arith.constant 2048 : i32
      %mul3A_144 = arith.muli %select_n3A_142, %mul3A_143 : i32
      %mul3A_145 = arith.constant 2 : i32
      %mul3A_146 = arith.muli %mul3A_145, %mul3A_144 : i32
      %dma_start3A_147 = tpu.memref_slice %arg3[%add3A_126, %mul3A_146] : memref<8192x8192xf32, #tpu.memory_space<hbm>> -> memref<8x4096xf32, #tpu.memory_space<hbm>>
      %dma_start3A_148 = tpu.memref_slice %arg3[%add3A_126, %mul3A_146] : memref<8192x8192xf32, #tpu.memory_space<hbm>> -> memref<8x4096xf32, #tpu.memory_space<hbm>>
      tpu.enqueue_dma source(%arg6 : memref<8x4096xf32, #tpu.memory_space<vmem>>) target(%dma_start3A_148 : memref<8x4096xf32, #tpu.memory_space<hbm>>) target_semaphore(%arg10 : memref<!tpu.dma_semaphore, #tpu.memory_space<semaphore_mem>>)
      %add3A_149 = arith.constant 2 : i32
      %add3A_150 = arith.addi %add3A_60, %add3A_149 : i32
      %lt3A_151 = arith.constant 64 : i32
      %lt3A_152 = arith.cmpi slt, %add3A_150, %lt3A_151 : i32
      %convert_element_type3A_153 = arith.extui %lt3A_152 : i1 to i32
      %cond3A_154 = arith.constant 0 : i32
      %cond3A_155 = arith.cmpi ne, %convert_element_type3A_153, %cond3A_154 : i32
      scf.if %cond3A_155 {
        %add3A_268 = arith.constant 2 : i32
        %add3A_269 = arith.addi %add3A_60, %add3A_268 : i32
        %jit3A_270 = arith.constant 2 : i32
        %div3A_271 = arith.divsi %add3A_269, %jit3A_270 : i32
        %sign3A_272 = arith.constant 0 : i32
        %sign3A_273 = arith.cmpi sgt, %add3A_269, %sign3A_272 : i32
        %sign3A_274 = arith.extui %sign3A_273 : i1 to i32
        %sign3A_275 = arith.constant 0 : i32
        %sign3A_276 = arith.cmpi slt, %add3A_269, %sign3A_275 : i32
        %sign3A_277 = arith.extui %sign3A_276 : i1 to i32
        %sign3A_278 = arith.subi %sign3A_274, %sign3A_277 : i32
        %sign3A_279 = arith.constant 0 : i32
        %sign3A_280 = arith.cmpi sgt, %jit3A_270, %sign3A_279 : i32
        %sign3A_281 = arith.extui %sign3A_280 : i1 to i32
        %sign3A_282 = arith.constant 0 : i32
        %sign3A_283 = arith.cmpi slt, %jit3A_270, %sign3A_282 : i32
        %sign3A_284 = arith.extui %sign3A_283 : i1 to i32
        %sign3A_285 = arith.subi %sign3A_281, %sign3A_284 : i32
        %ne3A_286 = arith.cmpi ne, %sign3A_278, %sign3A_285 : i32
        %rem3A_287 = arith.remsi %add3A_269, %jit3A_270 : i32
        %ne3A_288 = arith.constant 0 : i32
        %ne3A_289 = arith.cmpi ne, %rem3A_287, %ne3A_288 : i32
        %and3A_290 = arith.andi %ne3A_286, %ne3A_289 : i1
        %sub3A_291 = arith.constant 1 : i32
        %sub3A_292 = arith.subi %div3A_271, %sub3A_291 : i32
        %select_n3A_293 = arith.select %and3A_290, %sub3A_292, %div3A_271 : i32
        %mul3A_294 = arith.constant 8 : i32
        %mul3A_295 = arith.muli %select_n3A_293, %mul3A_294 : i32
        %add3A_296 = arith.addi %mul3A_2, %mul3A_295 : i32
        %jit3A_297 = arith.constant 2 : i32
        %eq3A_298 = arith.constant 0 : i32
        %eq3A_299 = arith.cmpi eq, %jit3A_297, %eq3A_298 : i32
        %jit3A_300 = arith.constant 1 : i32
        %select_n3A_301 = arith.select %eq3A_299, %jit3A_300, %jit3A_297 : i32
        %rem3A_302 = arith.remsi %add3A_269, %select_n3A_301 : i32
        %ne3A_303 = arith.constant 0 : i32
        %ne3A_304 = arith.cmpi ne, %rem3A_302, %ne3A_303 : i32
        %lt3A_305 = arith.constant 0 : i32
        %lt3A_306 = arith.cmpi slt, %rem3A_302, %lt3A_305 : i32
        %lt3A_307 = arith.constant 0 : i32
        %lt3A_308 = arith.cmpi slt, %select_n3A_301, %lt3A_307 : i32
        %ne3A_309 = arith.xori %lt3A_306, %lt3A_308 : i1
        %and3A_310 = arith.andi %ne3A_309, %ne3A_304 : i1
        %add3A_311 = arith.addi %rem3A_302, %select_n3A_301 : i32
        %select_n3A_312 = arith.select %and3A_310, %add3A_311, %rem3A_302 : i32
        %mul3A_313 = arith.constant 2048 : i32
        %mul3A_314 = arith.muli %select_n3A_312, %mul3A_313 : i32
        %dma_start3A_315 = tpu.memref_slice %arg2[%add3A_296, %mul3A_314] : memref<8192x4096xf32, #tpu.memory_space<hbm>> -> memref<8x2048xf32, #tpu.memory_space<hbm>>
        %dma_start3A_316 = tpu.memref_slice %arg2[%add3A_296, %mul3A_314] : memref<8192x4096xf32, #tpu.memory_space<hbm>> -> memref<8x2048xf32, #tpu.memory_space<hbm>>
        tpu.enqueue_dma source(%dma_start3A_316 : memref<8x2048xf32, #tpu.memory_space<hbm>>) target(%arg4 : memref<8x2048xf32, #tpu.memory_space<vmem>>) target_semaphore(%arg8 : memref<!tpu.dma_semaphore, #tpu.memory_space<semaphore_mem>>)
      } else {
      }
      %mul3A_156 = arith.constant 2 : i32
      %mul3A_157 = arith.muli %scan3A_56, %mul3A_156 : i32
      %add3A_158 = arith.constant 1 : i32
      %add3A_159 = arith.addi %mul3A_157, %add3A_158 : i32
      %jit3A_160 = arith.constant 2 : i32
      %div3A_161 = arith.divsi %add3A_159, %jit3A_160 : i32
      %sign3A_162 = arith.constant 0 : i32
      %sign3A_163 = arith.cmpi sgt, %add3A_159, %sign3A_162 : i32
      %sign3A_164 = arith.extui %sign3A_163 : i1 to i32
      %sign3A_165 = arith.constant 0 : i32
      %sign3A_166 = arith.cmpi slt, %add3A_159, %sign3A_165 : i32
      %sign3A_167 = arith.extui %sign3A_166 : i1 to i32
      %sign3A_168 = arith.subi %sign3A_164, %sign3A_167 : i32
      %sign3A_169 = arith.constant 0 : i32
      %sign3A_170 = arith.cmpi sgt, %jit3A_160, %sign3A_169 : i32
      %sign3A_171 = arith.extui %sign3A_170 : i1 to i32
      %sign3A_172 = arith.constant 0 : i32
      %sign3A_173 = arith.cmpi slt, %jit3A_160, %sign3A_172 : i32
      %sign3A_174 = arith.extui %sign3A_173 : i1 to i32
      %sign3A_175 = arith.subi %sign3A_171, %sign3A_174 : i32
      %ne3A_176 = arith.cmpi ne, %sign3A_168, %sign3A_175 : i32
      %rem3A_177 = arith.remsi %add3A_159, %jit3A_160 : i32
      %ne3A_178 = arith.constant 0 : i32
      %ne3A_179 = arith.cmpi ne, %rem3A_177, %ne3A_178 : i32
      %and3A_180 = arith.andi %ne3A_176, %ne3A_179 : i1
      %sub3A_181 = arith.constant 1 : i32
      %sub3A_182 = arith.subi %div3A_161, %sub3A_181 : i32
      %select_n3A_183 = arith.select %and3A_180, %sub3A_182, %div3A_161 : i32
      %mul3A_184 = arith.constant 8 : i32
      %mul3A_185 = arith.muli %select_n3A_183, %mul3A_184 : i32
      %add3A_186 = arith.addi %mul3A_2, %mul3A_185 : i32
      %jit3A_187 = arith.constant 2 : i32
      %eq3A_188 = arith.constant 0 : i32
      %eq3A_189 = arith.cmpi eq, %jit3A_187, %eq3A_188 : i32
      %jit3A_190 = arith.constant 1 : i32
      %select_n3A_191 = arith.select %eq3A_189, %jit3A_190, %jit3A_187 : i32
      %rem3A_192 = arith.remsi %add3A_159, %select_n3A_191 : i32
      %ne3A_193 = arith.constant 0 : i32
      %ne3A_194 = arith.cmpi ne, %rem3A_192, %ne3A_193 : i32
      %lt3A_195 = arith.constant 0 : i32
      %lt3A_196 = arith.cmpi slt, %rem3A_192, %lt3A_195 : i32
      %lt3A_197 = arith.constant 0 : i32
      %lt3A_198 = arith.cmpi slt, %select_n3A_191, %lt3A_197 : i32
      %ne3A_199 = arith.xori %lt3A_196, %lt3A_198 : i1
      %and3A_200 = arith.andi %ne3A_199, %ne3A_194 : i1
      %add3A_201 = arith.addi %rem3A_192, %select_n3A_191 : i32
      %select_n3A_202 = arith.select %and3A_200, %add3A_201, %rem3A_192 : i32
      %mul3A_203 = arith.constant 2048 : i32
      %mul3A_204 = arith.muli %select_n3A_202, %mul3A_203 : i32
      %dma_wait3A_205 = tpu.memref_slice %arg2[%add3A_186, %mul3A_204] : memref<8192x4096xf32, #tpu.memory_space<hbm>> -> memref<8x2048xf32, #tpu.memory_space<hbm>>
      %dma_wait3A_206 = tpu.memref_slice %arg2[%add3A_186, %mul3A_204] : memref<8192x4096xf32, #tpu.memory_space<hbm>> -> memref<8x2048xf32, #tpu.memory_space<hbm>>
      tpu.wait_dma2 semaphore(%arg9 : memref<!tpu.dma_semaphore, #tpu.memory_space<semaphore_mem>>) src(%dma_wait3A_206 : memref<8x2048xf32, #tpu.memory_space<hbm>>) dst(%arg5 : memref<8x2048xf32, #tpu.memory_space<vmem>>)
      %ge3A_207 = arith.constant 2 : i32
      %ge3A_208 = arith.cmpi sge, %add3A_159, %ge3A_207 : i32
      %convert_element_type3A_209 = arith.extui %ge3A_208 : i1 to i32
      %cond3A_210 = arith.constant 0 : i32
      %cond3A_211 = arith.cmpi ne, %convert_element_type3A_209, %cond3A_210 : i32
      scf.if %cond3A_211 {
        %jit3A_268 = arith.constant 2 : i32
        %div3A_269 = arith.divsi %add3A_159, %jit3A_268 : i32
        %sign3A_270 = arith.constant 0 : i32
        %sign3A_271 = arith.cmpi sgt, %add3A_159, %sign3A_270 : i32
        %sign3A_272 = arith.extui %sign3A_271 : i1 to i32
        %sign3A_273 = arith.constant 0 : i32
        %sign3A_274 = arith.cmpi slt, %add3A_159, %sign3A_273 : i32
        %sign3A_275 = arith.extui %sign3A_274 : i1 to i32
        %sign3A_276 = arith.subi %sign3A_272, %sign3A_275 : i32
        %sign3A_277 = arith.constant 0 : i32
        %sign3A_278 = arith.cmpi sgt, %jit3A_268, %sign3A_277 : i32
        %sign3A_279 = arith.extui %sign3A_278 : i1 to i32
        %sign3A_280 = arith.constant 0 : i32
        %sign3A_281 = arith.cmpi slt, %jit3A_268, %sign3A_280 : i32
        %sign3A_282 = arith.extui %sign3A_281 : i1 to i32
        %sign3A_283 = arith.subi %sign3A_279, %sign3A_282 : i32
        %ne3A_284 = arith.cmpi ne, %sign3A_276, %sign3A_283 : i32
        %rem3A_285 = arith.remsi %add3A_159, %jit3A_268 : i32
        %ne3A_286 = arith.constant 0 : i32
        %ne3A_287 = arith.cmpi ne, %rem3A_285, %ne3A_286 : i32
        %and3A_288 = arith.andi %ne3A_284, %ne3A_287 : i1
        %sub3A_289 = arith.constant 1 : i32
        %sub3A_290 = arith.subi %div3A_269, %sub3A_289 : i32
        %select_n3A_291 = arith.select %and3A_288, %sub3A_290, %div3A_269 : i32
        %mul3A_292 = arith.constant 8 : i32
        %mul3A_293 = arith.muli %select_n3A_291, %mul3A_292 : i32
        %add3A_294 = arith.addi %mul3A_2, %mul3A_293 : i32
        %jit3A_295 = arith.constant 2 : i32
        %eq3A_296 = arith.constant 0 : i32
        %eq3A_297 = arith.cmpi eq, %jit3A_295, %eq3A_296 : i32
        %jit3A_298 = arith.constant 1 : i32
        %select_n3A_299 = arith.select %eq3A_297, %jit3A_298, %jit3A_295 : i32
        %rem3A_300 = arith.remsi %add3A_159, %select_n3A_299 : i32
        %ne3A_301 = arith.constant 0 : i32
        %ne3A_302 = arith.cmpi ne, %rem3A_300, %ne3A_301 : i32
        %lt3A_303 = arith.constant 0 : i32
        %lt3A_304 = arith.cmpi slt, %rem3A_300, %lt3A_303 : i32
        %lt3A_305 = arith.constant 0 : i32
        %lt3A_306 = arith.cmpi slt, %select_n3A_299, %lt3A_305 : i32
        %ne3A_307 = arith.xori %lt3A_304, %lt3A_306 : i1
        %and3A_308 = arith.andi %ne3A_307, %ne3A_302 : i1
        %add3A_309 = arith.addi %rem3A_300, %select_n3A_299 : i32
        %select_n3A_310 = arith.select %and3A_308, %add3A_309, %rem3A_300 : i32
        %mul3A_311 = arith.constant 2048 : i32
        %mul3A_312 = arith.muli %select_n3A_310, %mul3A_311 : i32
        %mul3A_313 = arith.constant 2 : i32
        %mul3A_314 = arith.muli %mul3A_313, %mul3A_312 : i32
        %dma_wait3A_315 = tpu.memref_slice %arg3[%add3A_294, %mul3A_314] : memref<8192x8192xf32, #tpu.memory_space<hbm>> -> memref<8x4096xf32, #tpu.memory_space<hbm>>
        %dma_wait3A_316 = tpu.memref_slice %arg3[%add3A_294, %mul3A_314] : memref<8192x8192xf32, #tpu.memory_space<hbm>> -> memref<8x4096xf32, #tpu.memory_space<hbm>>
        tpu.wait_dma2 semaphore(%arg11 : memref<!tpu.dma_semaphore, #tpu.memory_space<semaphore_mem>>) src(%arg7 : memref<8x4096xf32, #tpu.memory_space<vmem>>) dst(%dma_wait3A_316 : memref<8x4096xf32, #tpu.memory_space<hbm>>)
      } else {
      }
      %jit3A_212 = arith.constant 2 : i32
      %div3A_213 = arith.divsi %add3A_159, %jit3A_212 : i32
      %sign3A_214 = arith.constant 0 : i32
      %sign3A_215 = arith.cmpi sgt, %add3A_159, %sign3A_214 : i32
      %sign3A_216 = arith.extui %sign3A_215 : i1 to i32
      %sign3A_217 = arith.constant 0 : i32
      %sign3A_218 = arith.cmpi slt, %add3A_159, %sign3A_217 : i32
      %sign3A_219 = arith.extui %sign3A_218 : i1 to i32
      %sign3A_220 = arith.subi %sign3A_216, %sign3A_219 : i32
      %sign3A_221 = arith.constant 0 : i32
      %sign3A_222 = arith.cmpi sgt, %jit3A_212, %sign3A_221 : i32
      %sign3A_223 = arith.extui %sign3A_222 : i1 to i32
      %sign3A_224 = arith.constant 0 : i32
      %sign3A_225 = arith.cmpi slt, %jit3A_212, %sign3A_224 : i32
      %sign3A_226 = arith.extui %sign3A_225 : i1 to i32
      %sign3A_227 = arith.subi %sign3A_223, %sign3A_226 : i32
      %ne3A_228 = arith.cmpi ne, %sign3A_220, %sign3A_227 : i32
      %rem3A_229 = arith.remsi %add3A_159, %jit3A_212 : i32
      %ne3A_230 = arith.constant 0 : i32
      %ne3A_231 = arith.cmpi ne, %rem3A_229, %ne3A_230 : i32
      %and3A_232 = arith.andi %ne3A_228, %ne3A_231 : i1
      %sub3A_233 = arith.constant 1 : i32
      %sub3A_234 = arith.subi %div3A_213, %sub3A_233 : i32
      %select_n3A_235 = arith.select %and3A_232, %sub3A_234, %div3A_213 : i32
      %mul3A_236 = arith.constant 8 : i32
      %mul3A_237 = arith.muli %select_n3A_235, %mul3A_236 : i32
      %add3A_238 = arith.addi %mul3A_2, %mul3A_237 : i32
      %jit3A_239 = arith.constant 2 : i32
      %eq3A_240 = arith.constant 0 : i32
      %eq3A_241 = arith.cmpi eq, %jit3A_239, %eq3A_240 : i32
      %jit3A_242 = arith.constant 1 : i32
      %select_n3A_243 = arith.select %eq3A_241, %jit3A_242, %jit3A_239 : i32
      %rem3A_244 = arith.remsi %add3A_159, %select_n3A_243 : i32
      %ne3A_245 = arith.constant 0 : i32
      %ne3A_246 = arith.cmpi ne, %rem3A_244, %ne3A_245 : i32
      %lt3A_247 = arith.constant 0 : i32
      %lt3A_248 = arith.cmpi slt, %rem3A_244, %lt3A_247 : i32
      %lt3A_249 = arith.constant 0 : i32
      %lt3A_250 = arith.cmpi slt, %select_n3A_243, %lt3A_249 : i32
      %ne3A_251 = arith.xori %lt3A_248, %lt3A_250 : i1
      %and3A_252 = arith.andi %ne3A_251, %ne3A_246 : i1
      %add3A_253 = arith.addi %rem3A_244, %select_n3A_243 : i32
      %select_n3A_254 = arith.select %and3A_252, %add3A_253, %rem3A_244 : i32
      %mul3A_255 = arith.constant 2048 : i32
      %mul3A_256 = arith.muli %select_n3A_254, %mul3A_255 : i32
      %mul3A_257 = arith.constant 2 : i32
      %mul3A_258 = arith.muli %mul3A_257, %mul3A_256 : i32
      %dma_start3A_259 = tpu.memref_slice %arg3[%add3A_238, %mul3A_258] : memref<8192x8192xf32, #tpu.memory_space<hbm>> -> memref<8x4096xf32, #tpu.memory_space<hbm>>
      %dma_start3A_260 = tpu.memref_slice %arg3[%add3A_238, %mul3A_258] : memref<8192x8192xf32, #tpu.memory_space<hbm>> -> memref<8x4096xf32, #tpu.memory_space<hbm>>
      tpu.enqueue_dma source(%arg7 : memref<8x4096xf32, #tpu.memory_space<vmem>>) target(%dma_start3A_260 : memref<8x4096xf32, #tpu.memory_space<hbm>>) target_semaphore(%arg11 : memref<!tpu.dma_semaphore, #tpu.memory_space<semaphore_mem>>)
      %add3A_261 = arith.constant 2 : i32
      %add3A_262 = arith.addi %add3A_159, %add3A_261 : i32
      %lt3A_263 = arith.constant 64 : i32
      %lt3A_264 = arith.cmpi slt, %add3A_262, %lt3A_263 : i32
      %convert_element_type3A_265 = arith.extui %lt3A_264 : i1 to i32
      %cond3A_266 = arith.constant 0 : i32
      %cond3A_267 = arith.cmpi ne, %convert_element_type3A_265, %cond3A_266 : i32
      scf.if %cond3A_267 {
        %add3A_268 = arith.constant 2 : i32
        %add3A_269 = arith.addi %add3A_159, %add3A_268 : i32
        %jit3A_270 = arith.constant 2 : i32
        %div3A_271 = arith.divsi %add3A_269, %jit3A_270 : i32
        %sign3A_272 = arith.constant 0 : i32
        %sign3A_273 = arith.cmpi sgt, %add3A_269, %sign3A_272 : i32
        %sign3A_274 = arith.extui %sign3A_273 : i1 to i32
        %sign3A_275 = arith.constant 0 : i32
        %sign3A_276 = arith.cmpi slt, %add3A_269, %sign3A_275 : i32
        %sign3A_277 = arith.extui %sign3A_276 : i1 to i32
        %sign3A_278 = arith.subi %sign3A_274, %sign3A_277 : i32
        %sign3A_279 = arith.constant 0 : i32
        %sign3A_280 = arith.cmpi sgt, %jit3A_270, %sign3A_279 : i32
        %sign3A_281 = arith.extui %sign3A_280 : i1 to i32
        %sign3A_282 = arith.constant 0 : i32
        %sign3A_283 = arith.cmpi slt, %jit3A_270, %sign3A_282 : i32
        %sign3A_284 = arith.extui %sign3A_283 : i1 to i32
        %sign3A_285 = arith.subi %sign3A_281, %sign3A_284 : i32
        %ne3A_286 = arith.cmpi ne, %sign3A_278, %sign3A_285 : i32
        %rem3A_287 = arith.remsi %add3A_269, %jit3A_270 : i32
        %ne3A_288 = arith.constant 0 : i32
        %ne3A_289 = arith.cmpi ne, %rem3A_287, %ne3A_288 : i32
        %and3A_290 = arith.andi %ne3A_286, %ne3A_289 : i1
        %sub3A_291 = arith.constant 1 : i32
        %sub3A_292 = arith.subi %div3A_271, %sub3A_291 : i32
        %select_n3A_293 = arith.select %and3A_290, %sub3A_292, %div3A_271 : i32
        %mul3A_294 = arith.constant 8 : i32
        %mul3A_295 = arith.muli %select_n3A_293, %mul3A_294 : i32
        %add3A_296 = arith.addi %mul3A_2, %mul3A_295 : i32
        %jit3A_297 = arith.constant 2 : i32
        %eq3A_298 = arith.constant 0 : i32
        %eq3A_299 = arith.cmpi eq, %jit3A_297, %eq3A_298 : i32
        %jit3A_300 = arith.constant 1 : i32
        %select_n3A_301 = arith.select %eq3A_299, %jit3A_300, %jit3A_297 : i32
        %rem3A_302 = arith.remsi %add3A_269, %select_n3A_301 : i32
        %ne3A_303 = arith.constant 0 : i32
        %ne3A_304 = arith.cmpi ne, %rem3A_302, %ne3A_303 : i32
        %lt3A_305 = arith.constant 0 : i32
        %lt3A_306 = arith.cmpi slt, %rem3A_302, %lt3A_305 : i32
        %lt3A_307 = arith.constant 0 : i32
        %lt3A_308 = arith.cmpi slt, %select_n3A_301, %lt3A_307 : i32
        %ne3A_309 = arith.xori %lt3A_306, %lt3A_308 : i1
        %and3A_310 = arith.andi %ne3A_309, %ne3A_304 : i1
        %add3A_311 = arith.addi %rem3A_302, %select_n3A_301 : i32
        %select_n3A_312 = arith.select %and3A_310, %add3A_311, %rem3A_302 : i32
        %mul3A_313 = arith.constant 2048 : i32
        %mul3A_314 = arith.muli %select_n3A_312, %mul3A_313 : i32
        %dma_start3A_315 = tpu.memref_slice %arg2[%add3A_296, %mul3A_314] : memref<8192x4096xf32, #tpu.memory_space<hbm>> -> memref<8x2048xf32, #tpu.memory_space<hbm>>
        %dma_start3A_316 = tpu.memref_slice %arg2[%add3A_296, %mul3A_314] : memref<8192x4096xf32, #tpu.memory_space<hbm>> -> memref<8x2048xf32, #tpu.memory_space<hbm>>
        tpu.enqueue_dma source(%dma_start3A_316 : memref<8x2048xf32, #tpu.memory_space<hbm>>) target(%arg5 : memref<8x2048xf32, #tpu.memory_space<vmem>>) target_semaphore(%arg9 : memref<!tpu.dma_semaphore, #tpu.memory_space<semaphore_mem>>)
      } else {
      }
    }
    %scan3A_44 = arith.constant 32 : i32
    %add3A_45 = arith.constant 248 : i32
    %add3A_46 = arith.addi %mul3A_2, %add3A_45 : i32
    %dma_wait3A = arith.constant 0 : i32
    %dma_wait3A_47 = tpu.memref_slice %arg3[%add3A_46, %dma_wait3A] : memref<8192x8192xf32, #tpu.memory_space<hbm>> -> memref<8x4096xf32, #tpu.memory_space<hbm>>
    %dma_wait3A_48 = arith.constant 0 : i32
    %dma_wait3A_49 = tpu.memref_slice %arg3[%add3A_46, %dma_wait3A_48] : memref<8192x8192xf32, #tpu.memory_space<hbm>> -> memref<8x4096xf32, #tpu.memory_space<hbm>>
    tpu.wait_dma2 semaphore(%arg10 : memref<!tpu.dma_semaphore, #tpu.memory_space<semaphore_mem>>) src(%arg6 : memref<8x4096xf32, #tpu.memory_space<vmem>>) dst(%dma_wait3A_49 : memref<8x4096xf32, #tpu.memory_space<hbm>>)
    %add3A_50 = arith.constant 248 : i32
    %add3A_51 = arith.addi %mul3A_2, %add3A_50 : i32
    %dma_wait3A_52 = arith.constant 4096 : i32
    %dma_wait3A_53 = tpu.memref_slice %arg3[%add3A_51, %dma_wait3A_52] : memref<8192x8192xf32, #tpu.memory_space<hbm>> -> memref<8x4096xf32, #tpu.memory_space<hbm>>
    %dma_wait3A_54 = arith.constant 4096 : i32
    %dma_wait3A_55 = tpu.memref_slice %arg3[%add3A_51, %dma_wait3A_54] : memref<8192x8192xf32, #tpu.memory_space<hbm>> -> memref<8x4096xf32, #tpu.memory_space<hbm>>
    tpu.wait_dma2 semaphore(%arg11 : memref<!tpu.dma_semaphore, #tpu.memory_space<semaphore_mem>>) src(%arg7 : memref<8x4096xf32, #tpu.memory_space<vmem>>) dst(%dma_wait3A_55 : memref<8x4096xf32, #tpu.memory_space<hbm>>)
    return
  }
}

</mosaic_0001>

<sc_bundles>
// kernel: kernel.3.cloned.1.call-start
scs
__scs_entry_jumppad:
0x0: {  	(pc) =	sbr.rel $0x88, $3  }
0x1: {  	(tag) =	ssettag $0x0;
	lr =	simm.s32 $0x1  }
0x2: {  	[smem:$0x3FA0] =	sst lr;
	_ =	strace $0xD0000000  }
0x3: {  	_ = 	snop  }
0x4: {  	_ = 	snop  }
0x5: {  	_ = 	snop  }
0x6: {  	_ = 	snop  }
0x7: {  	_ = 	snop  }
__scs_overlays_trampoline_lowered:
0x8: {  	[smem:$0x3FAF] =	sst s0  }
0x9: {  	[smem:$0x3FB0] =	sst s1  }
0xa: {  	[smem:$0x3FB1] =	sst s2  }
0xb: {  	[smem:$0x3FB2] =	sst s3  }
0xc: {  	[smem:$0x3FB3] =	sst s4  }
0xd: {  	[smem:$0x3FB4] =	sst s5  }
0xe: {  	[smem:$0x3FB5] =	sst s6  }
0xf: {  	[smem:$0x3FB6] =	sst s7  }
0x10: {  	[smem:$0x3FB7] =	sst s8  }
0x11: {  	[smem:$0x3FB8] =	sst s9;
	s0 =	simm.s32 @!p0 $0x0  }
0x12: {  	s1 =	sld [smem:$0x3F9E];
	s0 =	simm.s32 @p0 $0x1  }
0x13: {  	[smem:$0x3FB9] =	sst s0;
	s0 =	simm.s32 @!p1 $0x0  }
0x14: {  	s2 =	sld [smem:$0x3F9D];
	s0 =	simm.s32 @p1 $0x1  }
0x15: {  	[smem:$0x3FBA] =	sst s0;
	s0 =	simm.s32 @!p2 $0x0  }
0x16: {  	s3 =	sld [smem:$0x3FDB];
	s0 =	simm.s32 @p2 $0x1  }
0x17: {  	s4 =	simm.s32 $0x1BF5;
	[smem:$0x3FBC] =	sst s0  }
0x18: {  	s0 =	sld [smem:$0x3F9F];
	_ =	swait.ge [sflag:s4], $0x0  }
0x19: {  	s7 =	sld [smem:$0x3FA0]  }
0x1a: {  	s8 =	sadd.s32 $0xFFFFE003, lr  }
0x1b: {  	s9 =	sadd.s32 $0xFFFFFEF7, lr;
	s5 =	simm.s32 $0xFFFFFFFF;
	p2 =	slt.u32 s8, $0xFFFFF086  }
0x1c: {  	p1 =	slt.u32 s9, $0xF7A;
	s5 =	simm.s32 @!p2 $0x0  }
0x1d: {  	s5 =	simm.s32 @p1 $0x1;
	p0 =	seq.s32 s7, s2  }
0x1e: {  	s7 =	smul.u32 @!p0 $0xF7A, s2;
	p2 =	seq.s32 @!p0 s5, $0x0  }
0x1f: {  	s9 =	smul.u32 $0xF7A, s1;
	s8 =	simm.s32 @!p0 $0x1BF5;
	p2 =	por !p2, p0  }
0x20: {  	[sflag:s8] =	ssyncset.s32 @!p0 $0xFFFFF086;
	s6 =	sadd.s32 @!p0 s3, s7;
	s7 =	simm.s32 @!p0 $0x108  }
0x21: {  	s3 =	sadd.s32 s3, s9;
	s6 =	sadd.s32 @!p0 $0x88, s6;
	s7 =	simm.s32 @p2 $0x1082  }
0x22: {  	[simem:s7], [sflag:s8] =	dma.local @!p0 [hbm:s6], $0xF7A  }
0x23: {  	s9 =	sor.u32 $0xD0000000, s2;
	s6 =	simm.s32 $0x108;
	_ =	swait.ge @!p0 [sflag:s8], $0x0  }
0x24: {  	s3 =	sadd.s32 $0x88, s3;
	s6 =	simm.s32 @!p1 $0x1082;
	[sflag:s4] =	ssyncset.s32 $0xFFFFF086  }
0x25: {  	[simem:s6], [sflag:s4] =	dma.local [hbm:s3], $0xF7A  }
0x26: {  	[smem:$0x3FA0] =	sst s1;
	(tag) =	ssettag s2;
	_ =	strace s9  }
0x27: {  	s1 =	sld [smem:$0x3FB0]  }
0x28: {  	s2 =	sld [smem:$0x3FB1]  }
0x29: {  	s4 =	sld [smem:$0x3FB3]  }
0x2a: {  	p0 =	seq.s32 s5, $0x0;
	s5 =	sld [smem:$0x3FB4]  }
0x2b: {  	s6 =	sld [smem:$0x3FB5]  }
0x2c: {  	s7 =	sld [smem:$0x3FB6]  }
0x2d: {  	s3 =	simm.s32 $0x108;
	s8 =	sld [smem:$0x3FB7]  }
0x2e: {  	s3 =	simm.s32 @!p0 $0x1082;
	s9 =	sld [smem:$0x3FB8]  }
0x2f: {  	lr =	sadd.s32 s0, s3;
	s0 =	sld [smem:$0x3FAF]  }
0x30: {  	s3 =	sld [smem:$0x3FB2]  }
0x31: {  	[smem:$0x3FBB] =	sst s10  }
0x32: {  	s10 =	sld [smem:$0x3FB9];
	_ =	sdelay $0x3  }
0x33: {  	p0 =	seq.s32 s10, $0x1;
	s10 =	sld [smem:$0x3FBB];
	_ =	sdelay $0x3  }
0x34: {  	[smem:$0x3FBB] =	sst s10  }
0x35: {  	s10 =	sld [smem:$0x3FBA];
	_ =	sdelay $0x3  }
0x36: {  	p1 =	seq.s32 s10, $0x1;
	s10 =	sld [smem:$0x3FBB];
	_ =	sdelay $0x3  }
0x37: {  	[smem:$0x3FBB] =	sst s10  }
0x38: {  	s10 =	sld [smem:$0x3FBC]  }
0x39: {  	_ = 	snop;
	(pc) =	sbr.ind lr, $3  }
0x3a: {  	_ = 	snop  }
0x3b: {  	_ = 	snop  }
0x3c: {  	p2 =	seq.s32 s10, $0x1;
	s10 =	sld [smem:$0x3FBB]  }
0x3d: {  	_ =	shalt  }
0x3e: {  	_ =	shalt  }
0x3f: {  	_ =	shalt  }
0x40: {  	_ =	shalt  }
0x41: {  	_ =	shalt  }
0x42: {  	_ =	shalt  }
0x43: {  	_ =	shalt  }
0x44: {  	_ =	shalt  }
0x45: {  	_ =	shalt  }
0x46: {  	_ =	shalt  }
0x47: {  	_ =	shalt  }
0x48: {  	_ =	shalt  }
0x49: {  	_ =	shalt  }
0x4a: {  	_ =	shalt  }
0x4b: {  	_ =	shalt  }
0x4c: {  	_ =	shalt  }
0x4d: {  	_ =	shalt  }
0x4e: {  	_ =	shalt  }
0x4f: {  	_ =	shalt  }
0x50: {  	_ =	shalt  }
0x51: {  	_ =	shalt  }
0x52: {  	_ =	shalt  }
0x53: {  	_ =	shalt  }
0x54: {  	_ =	shalt  }
0x55: {  	_ =	shalt  }
0x56: {  	_ =	shalt  }
0x57: {  	_ =	shalt  }
0x58: {  	_ =	shalt  }
0x59: {  	_ =	shalt  }
0x5a: {  	_ =	shalt  }
0x5b: {  	_ =	shalt  }
0x5c: {  	_ =	shalt  }
0x5d: {  	_ =	shalt  }
0x5e: {  	_ =	shalt  }
0x5f: {  	_ =	shalt  }
0x60: {  	_ =	shalt  }
0x61: {  	_ =	shalt  }
0x62: {  	_ =	shalt  }
0x63: {  	_ =	shalt  }
0x64: {  	_ =	shalt  }
0x65: {  	_ =	shalt  }
0x66: {  	_ =	shalt  }
0x67: {  	_ =	shalt  }
0x68: {  	_ =	shalt  }
0x69: {  	_ =	shalt  }
0x6a: {  	_ =	shalt  }
0x6b: {  	_ =	shalt  }
0x6c: {  	_ =	shalt  }
0x6d: {  	_ =	shalt  }
0x6e: {  	_ =	shalt  }
0x6f: {  	_ =	shalt  }
0x70: {  	_ =	shalt  }
0x71: {  	_ =	shalt  }
0x72: {  	_ =	shalt  }
0x73: {  	_ =	shalt  }
0x74: {  	_ =	shalt  }
0x75: {  	_ =	shalt  }
0x76: {  	_ =	shalt  }
0x77: {  	_ =	shalt  }
0x78: {  	_ =	shalt  }
0x79: {  	_ =	shalt  }
0x7a: {  	_ =	shalt  }
0x7b: {  	_ =	shalt  }
0x7c: {  	_ =	shalt  }
0x7d: {  	_ =	shalt  }
0x7e: {  	_ =	shalt  }
0x7f: {  	_ =	shalt  }
0x80: {  	_ =	shalt  }
0x81: {  	_ =	shalt  }
0x82: {  	_ =	shalt  }
0x83: {  	_ =	shalt  }
0x84: {  	_ =	shalt  }
0x85: {  	_ =	shalt  }
0x86: {  	_ =	shalt  }
0x87: {  	_ =	shalt  }
.Lfunc_end0:
.L_simem_size_0:
called_computation_lowered:
.L_overlay_start_0:
0x88: {  	s2 =	sld [smem:$0x3FD9]  }
0x89: {  	s3 =	sld [smem:$0x3FFE];
	_ =	sdelay $0x1  }
0x8a: {  	s1 =	srdreg.scid  }
0x8b: {  	s0 =	sand.u32 $0x1, s1  }
0x8c: {  	s18 =	sshll.u32 s0, $0xA;
	s2 =	sadd.s32 s3, s2  }
0x8d: {  	s2 =	sadd.s32 s2, s18  }
0x8e: {  	[smem:$0x3FC7] =	sst s2  }
0x8f: {  	_ = 	snop  }
0x90: {  	s2 =	sld [smem:$0x3FC9]  }
0x91: {  	s19 =	sld [smem:$0x3FD0];
	(tm) =	ssettm $0x1  }
0x92: {  	s4 =	sld [smem:$0x3FFB];
	_ =	sdelay $0x3  }
0x93: {  	_ =	strace s4  }
0x94: {  	s4 =	sld [smem:$0x3FFC];
	_ =	sdelay $0x3  }
0x95: {  	_ =	strace s4  }
0x96: {  	s4 =	sld [smem:$0x3FFD];
	_ =	sdelay $0x3  }
0x97: {  	_ =	strace s4  }
0x98: {  	_ =	strace $0x8FFFFFFF  }
0x99: {  	s20 =	sld [smem:$0x3FDB];
	_ =	sdelay $0x1  }
0x9a: {  	s5 =	simm.s32 $_scs_section_size  }
0x9b: {  	s6 =	simm.s32 $_size__tile_overlayer_lowered;
	s7 =	simm.s32 $_tile_overlayer_lowered  }
0x9c: {  	s23 =	simm.s32 $0x1BFF;
	s22 =	sshll.u32 s7, $0x1;
	s4 =	sadd.s32 s5, s20  }
0x9d: {  	s8 =	simm.s32 $0x0;
	s21 =	sshll.u32 s6, $0x1;
	s6 =	sadd.s32 s22, s4  }
0x9e: {  	[timem:s8], [sflag:s23] =	dma.local [hbm:s6], s21  }
0x9f: {  	_ =	swait.ge [sflag:s23], s21  }
0xa0: {  	s5 =	ssub.s32 $0x0, s21;
	[sflag:s23] =	ssyncset.done $0x0  }
0xa1: {  	[sflag:s23] =	ssyncadd.s32 s5;
	_ =	sdelay $0x1  }
0xa2: {  	s24 =	simm.s32 $0x1B8B  }
0xa3: {  	_ =	swait.ge [sflag:s24], $0x1  }
0xa4: {  	[sflag:s24] =	ssyncset.done $0x0  }
0xa5: {  	s25 =	simm.s32 $0x1B8E;
	[sflag:s24] =	ssyncadd.s32 $0xFFFFFFFF  }
0xa6: {  	s26 =	simm.s32 $execute0_lowered;
	[smem:$0x3FD2] =	sst s25  }
0xa7: {  	s5 =	sshll.u32 s26, $0x1;
	_ =	strace $0x80000046;
	[dreg:$0x1] =	wrdreg $0xFFFFFFFF  }
0xa8: {  	s28 =	simm.s32 $_size_execute0_lowered;
	s4 =	sadd.s32 s4, s5;
	[dreg:$0x0] =	wrdreg $0x0  }
0xa9: {  	s5 =	sshll.u32 s28, $0x1;
	[dreg:$0x2] =	wrdreg s4  }
0xaa: {  	[dreg:$0x3] =	wrdreg s5  }
0xab: {  	[dreg:$0x4] =	wrdreg $0xC0  }
0xac: {  	_ =	task [dreg:s8], $0x5FFFF  }
0xad: {  	[dreg:$0x1] =	wrdreg $0xFFFFFFFF  }
0xae: {  	[dreg:$0x0] =	wrdreg $0x60  }
0xaf: {  	[dreg:$0x2] =	wrdreg s2  }
0xb0: {  	[dreg:$0x3] =	wrdreg s19  }
0xb1: {  	[dreg:$0x4] =	wrdreg $0x9  }
0xb2: {  	_ =	task.clear_ibuf [dreg:s8], $0x5FFFF;
	_ =	strace $0x90000046  }
0xb3: {  	s29 =	simm.s32 $0x9;
	_ =	strace $0x80000048  }
0xb4: {  	_ =	swait.ge [sflag:s29], $0x1  }
0xb5: {  	[sflag:s29] =	ssyncadd.s32 $0xFFFFFFFF  }
0xb6: {  	_ =	strace $0x90000048  }
0xb7: {  	_ =	sfence  }
0xb8: {  	s30 =	sld [smem:$0x0];
	_ =	sdelay $0x2  }
0xb9: {  	s31 =	sshll.u32 s1, $0xD;
	s1 =	sshrl.u32 s1, $0x2  }
0xba: {  	s3 =	sand.u32 $0x4000, s31;
	s1 =	sadd.s32 s1, s30  }
0xbb: {  	s0 =	sor.u32 s3, s0;
	s1 =	sshll.u32 s1, $0x11  }
0xbc: {  	s0 =	sor.u32 s1, s0  }
0xbd: {  	s0 =	sadd.s32 $0x8F2B, s0  }
0xbe: {  	[sflag:s0] =	ssyncadd.remote.s32 $0x1  }
0xbf: {  	_ =	sfence.sel $0xFFFF  }
0xc0: {  	[dreg:$0x0] =	wrdreg $0xFFFFFFFF;
	(pc) =	sbr.abs _section_cstart, $3  }
0xc1: {  	[dreg:$0x1] =	wrdreg $0xFFFFFFFF  }
0xc2: {  	_ =	task.clear_ibuf [dreg:s8], $0x2FFFF;
	_ =	strace $0x9FFFFFFF  }
0xc3: {  	(tm) =	ssettm $0x7FFFFFFF  }
tec
execute0_lowered:
.L_overlay_start_1:
0x0: {  	(tag) =	ssettag $0x1  }
0x1: {  	s10 =	rddreg [dreg:$0x0]  }
0x2: {  	s12 =	rddreg [dreg:$0x1]  }
0x3: {  	s0 =	rddreg [dreg:$0x2];
	s3 =	srdreg.scid;
	s2 =	simm.s32 $0x0  }
0x4: {  	s1 =	stileid.u32;
	s16 =	simm.s32 $0x2;
	s17 =	simm.s32 $0x10000  }
0x5: {  	s18 =	simm.s32 $0x3;
	s19 =	simm.s32 $0x4;
	s20 =	simm.s32 $0x0  }
0x6: {  	s11 =	sand.u32 $0x1, s3;
	[smem:$0x7FF] =	sst s2;
	s30 =	sshll.u32 s1, $0x9  }
0x7: {  	s9 =	sadd.s32 $0x800, s10;
	s15 =	sshll.u32 s1, $0x12;
	s4 =	sshll.u32 s11, $0x8  }
0x8: {  	_ =	strace $0x80000047;
	s5 =	ssub.s32 $0x2, s11;
	s15 =	sadd.s32 s15, s10  }
0x9: {  	s11 =	sshll.u32 s11, $0x11;
	s6 =	sor.u32 s4, s30;
	s31 =	sshrl.u32 s5, $0x1  }
0xa: {  	s11 =	sadd.s32 s11, s15;
	s15 =	simm.s32 $0x8000;
	s4 =	sshll.u32 s6, $0x9  }
0xb: {  	s7 =	ssub.s32 s5, s31;
	s13 =	sshrl.u32 s6, $0x3;
	s8 =	sshll.u32 s6, $0xA  }
0xc: {  	s11 =	sadd.s32 $0x2000, s11;
	s3 =	sadd.s32 s10, s4;
	s4 =	sadd.s32 s4, s9  }
.Ltmp0:
0xd: {  	s6 =	smax.u32 s7, $0x1;
	s7 =	sadd.s32 s12, s8;
	(pc) =	sbr.rel .LBB2_1-.Ltmp0, $4  }
0xe: {  	s14 =	sshll.u32 s13, $0xC;
	s13 =	sshll.u32 s13, $0xD;
	s5 =	sadd.s32 $0x1000, s3  }
0xf: {  	s8 =	sadd.s32 $0x1000, s7;
	s9 =	sadd.s32 s14, s9;
	s10 =	sadd.s32 s14, s10  }
0x10: {  	s12 =	sadd.s32 s13, s12;
	s13 =	simm.s32 $0x4000;
	s14 =	simm.s32 $0x1  }
0x11: {  	v0 =	vimm.f32 $0.0e+00;
	s9 =	sadd.s32 $0x1000, s9;
	s10 =	sadd.s32 $0x2800, s10;
	s12 =	sadd.s32 $0x2000, s12  }
.LBB2_6:
0x12: {  	s20 =	sadd.s32 $0x1, s20  }
0x13: {  	_ =	swait.ge [sflag:s18], $0x8000;
	p0 =	sne.s32 s20, s6  }
.Ltmp1:
0x14: {  	[sflag:s18] =	ssyncset.done $0x0;
	(pc) =	sbr.rel @!p0 .LBB2_7-.Ltmp1, $4  }
0x15: {  	[sflag:s18] =	ssyncadd.s32 $0xFFFF8000  }
0x16: {  	_ =	swait.ge [sflag:s19], $0x8000  }
0x17: {  	[sflag:s19] =	ssyncset.done $0x0  }
0x18: {  	[sflag:s19] =	ssyncadd.s32 $0xFFFF8000  }
.LBB2_1:
0x19: {  	[tilespmem:s2], [sflag:$0x1] =	stream.linear.gather [hbm4b:s3+s2], $0x4000, $0x38;
	[tilespmem:$0x18000] =	vst v63  }
0x1a: {  	s21 =	sand.u32 $0x70, s2;
	s22 =	sand.u32 $0x7C00, s2  }
0x1b: {  	s21 =	sor.u32 s21, s22  }
0x1c: {  	[tilespmem:s13], [sflag:$0x2] =	stream.linear.gather [hbm4b:s4+s2], $0x4000, $0x38;
	[tilespmem:$0x18000] =	vst v63  }
0x1d: {  	[tilespmem:s21+$0x8300] =	vst v0  }
0x1e: {  	[tilespmem:s21+$0x10280] =	vst v0  }
0x1f: {  	[tilespmem:s21+$0x8280] =	vst v0  }
0x20: {  	[tilespmem:s21+$0x10200] =	vst v0  }
0x21: {  	[tilespmem:s21+$0x8200] =	vst v0  }
0x22: {  	[tilespmem:s21+$0x10180] =	vst v0  }
0x23: {  	[tilespmem:s21+$0x8180] =	vst v0  }
0x24: {  	[tilespmem:s21+$0x10100] =	vst v0  }
0x25: {  	[tilespmem:s21+$0x8100] =	vst v0  }
0x26: {  	s25 =	sand.u32 $0x7, s2;
	[tilespmem:s21+$0x10080] =	vst v0  }
0x27: {  	s23 =	simm.s32 $0x10;
	s24 =	simm.s32 $0x0;
	s22 =	simm.s32 $0x0;
	[tilespmem:s21+$0x8080] =	vst v0  }
.LBB2_2:
0x28: {  	p0 =	sne.s32 s23, $0xFF0;
	s25 =	sshll.u32 s25, $0x4;
	[tilespmem:s21+$0x10000] =	vst v0  }
0x29: {  	s25 =	sadd.s32 s25, s22;
	[tilespmem:s21+$0x8000] =	vst v0  }
0x2a: {  	s22 =	sadd.s32 $0x80, s22;
	[tilespmem:s21+$0x10300] =	vst v0;
	s25 =	sor.u32 $0x380, s25  }
0x2b: {  	s21 =	sand.u32 $0x70, s23;
	s26 =	sand.u32 $0x7C00, s22;
	[tilespmem:s25+$0x10000] =	vst v0  }
0x2c: {  	s21 =	sor.u32 s21, s26;
	[tilespmem:s25+$0x8000] =	vst v0  }
0x2d: {  	[tilespmem:s21+$0x8300] =	vst v0  }
0x2e: {  	[tilespmem:s21+$0x10280] =	vst v0  }
0x2f: {  	[tilespmem:s21+$0x8280] =	vst v0  }
0x30: {  	[tilespmem:s21+$0x10200] =	vst v0  }
0x31: {  	[tilespmem:s21+$0x8200] =	vst v0  }
0x32: {  	[tilespmem:s21+$0x10180] =	vst v0  }
.Ltmp2:
0x33: {  	[tilespmem:s21+$0x8180] =	vst v0;
	(pc) =	sbr.rel @p0 .LBB2_2-.Ltmp2, $4  }
0x34: {  	[tilespmem:s21+$0x10100] =	vst v0  }
0x35: {  	[tilespmem:s21+$0x8100] =	vst v0  }
0x36: {  	s24 =	sadd.s32 $0x1, s24;
	[tilespmem:s21+$0x10080] =	vst v0  }
0x37: {  	s23 =	sadd.s32 $0x10, s23;
	s25 =	sand.u32 $0x7, s24;
	[tilespmem:s21+$0x8080] =	vst v0  }
0x38: {  	s23 =	sshll.u32 s25, $0x4;
	[tilespmem:s21+$0x10000] =	vst v0  }
0x39: {  	[tilespmem:s21+$0x8000] =	vst v0;
	s22 =	sadd.s32 s23, s22  }
0x3a: {  	[tilespmem:s21+$0x10300] =	vst v0;
	s31 =	sor.u32 $0x380, s22  }
0x3b: {  	[tilespmem:s31+$0x10000] =	vst v0  }
0x3c: {  	[tilespmem:s31+$0x8000] =	vst v0  }
0x3d: {  	_ =	swait.ge [sflag:s14], $0x4000  }
0x3e: {  	[sflag:s14] =	ssyncset.done $0x0  }
0x3f: {  	s21 =	simm.s32 $0x0;
	[sflag:s14] =	ssyncadd.s32 $0xFFFFC000  }
0x40: {  	[hbm4b:s7+s21] =	stream.linear.scatter [tilespmem:s15], [sflag:$0x3], $0x8000, $0x38;
	[tilespmem:$0x18000] =	vst v63  }
0x41: {  	_ = 	snop  }
0x42: {  	[tilespmem:s21], [sflag:$0x1] =	stream.linear.gather [hbm4b:s5+s21], $0x4000, $0x38;
	[tilespmem:$0x18000] =	vst v63  }
0x43: {  	_ =	swait.ge [sflag:s16], $0x4000  }
0x44: {  	[sflag:s16] =	ssyncset.done $0x0  }
0x45: {  	[sflag:s16] =	ssyncadd.s32 $0xFFFFC000  }
0x46: {  	[hbm4b:s8+s21] =	stream.linear.scatter [tilespmem:s17], [sflag:$0x4], $0x8000, $0x38;
	[tilespmem:$0x18000] =	vst v63  }
0x47: {  	s22 =	smov.u32 s12  }
0x48: {  	[tilespmem:s13], [sflag:$0x2] =	stream.linear.gather [hbm4b:s9+s21], $0x4000, $0x38;
	[tilespmem:$0x18000] =	vst v63  }
.LBB2_4:
0x49: {  	_ =	swait.ge [sflag:s14], $0x4000  }
0x4a: {  	[sflag:s14] =	ssyncset.done $0x0  }
0x4b: {  	[sflag:s14] =	ssyncadd.s32 $0xFFFFC000  }
0x4c: {  	_ =	swait.ge [sflag:s18], $0x8000  }
0x4d: {  	[sflag:s18] =	ssyncset.done $0x0  }
0x4e: {  	p0 =	seq.s32 s21, $0x1E000;
	[sflag:s18] =	ssyncadd.s32 $0xFFFF8000  }
0x4f: {  	[hbm4b:s22+s2] =	stream.linear.scatter [tilespmem:s15], [sflag:$0x3], $0x8000, $0x38;
	[tilespmem:$0x18000] =	vst v63  }
0x50: {  	s23 =	sadd.s32 @!p0 s21, s11;
	s24 =	simm.s32 @!p0 $0x0  }
0x51: {  	[tilespmem:s24], [sflag:$0x1] =	stream.linear.gather @!p0 [hbm4b:s23+s24], $0x4000, $0x38;
	[tilespmem:$0x18000] =	vst v63  }
0x52: {  	_ =	swait.ge [sflag:s16], $0x4000  }
0x53: {  	[sflag:s16] =	ssyncset.done $0x0  }
.Ltmp3:
0x54: {  	[sflag:s16] =	ssyncadd.s32 $0xFFFFC000;
	(pc) =	sbr.rel @p0 .LBB2_6-.Ltmp3, $4  }
0x55: {  	_ =	swait.ge [sflag:s19], $0x8000  }
0x56: {  	[sflag:s19] =	ssyncset.done $0x0  }
0x57: {  	s31 =	sadd.s32 $0x1000, s22;
	[sflag:s19] =	ssyncadd.s32 $0xFFFF8000  }
0x58: {  	[hbm4b:s31+s2] =	stream.linear.scatter [tilespmem:s17], [sflag:$0x4], $0x8000, $0x38;
	[tilespmem:$0x18000] =	vst v63  }
.Ltmp4:
0x59: {  	(pc) =	sbr.rel .LBB2_4-.Ltmp4, $3  }
0x5a: {  	_ =	sdelay $0x1  }
0x5b: {  	s23 =	sadd.s32 s21, s10;
	s21 =	sadd.s32 $0x1000, s21;
	s22 =	sadd.s32 $0x2000, s22  }
0x5c: {  	[tilespmem:s13], [sflag:$0x2] =	stream.linear.gather [hbm4b:s23+s2], $0x4000, $0x38;
	[tilespmem:$0x18000] =	vst v63  }
.LBB2_7:
0x5d: {  	_ =	sfence.sel $0x180000  }
0x5e: {  	[bflag:$0x0] =	sbarrier.arrive $0xFFFF  }
0x5f: {  	p0 =	sne.s32 s1, $0x0;
	_ =	strace $0x90000047  }
0x60: {  	s0 =	sadd.s32 @!p0 $0x100000, s0;
	[bflag:$0x2] =	sbarrier.arrive $0xFFFF  }
0x61: {  	[sflag:s0] =	ssyncadd.tile.s32 @!p0 $0x1;
	_ =	shalt  }
.Lfunc_end2:
_tile_overlayer_lowered:
.L_overlay_start_2:
0x62: {  	(tag) =	ssettag $0x2  }
0x63: {  	s0 =	rddreg [dreg:$0x0];
	s2 =	stileid.u32  }
0x64: {  	s1 =	rddreg [dreg:$0x1];
	p0 =	sne.s32 s2, $0x0  }
0x65: {  	s3 =	rddreg [dreg:$0x2];
	[bflag:$0x3] =	sbarrier.arrive $0xFFFF;
	s2 =	simm.s32 @!p0 $0x1C05  }
0x66: {  	[timem:s3], [sflag:s2] =	dma.local @!p0 [hbm:s0], s1  }
0x67: {  	s0 =	simm.s32 @!p0 $0x5  }
0x68: {  	_ =	swait.ge @!p0 [sflag:s0], s1  }
0x69: {  	s1 =	ssub.s32 @!p0 $0x0, s1;
	[sflag:s0] =	ssyncset.done @!p0 $0x0  }
0x6a: {  	[sflag:s0] =	ssyncadd.s32 @!p0 s1  }
0x6b: {  	[bflag:$0x3] =	sbarrier.arrive $0xFFFF  }
0x6c: {  	_ =	shalt  }

</sc_bundles>
